<compile_context>
chip_gen: v7x
topology: tpu7x:2x2x1
jax: 0.10.2.dev20260603
libtpu: 0.0.44.dev20260713+nightly
codegen_flags: <defaults>
</compile_context>

<pallas_src>
import functools

import jax
import jax.numpy as jnp
from jax import lax
from jax.experimental import pallas as pl
from jax.experimental.pallas import tpu as pltpu
from jax.experimental.pallas import tpu_sc as plsc

D_MODEL = 128


def _make_sc_gather(V, D, B, C=200):
    NC, NS = 2, 16
    NW = NC * NS
    assert B % NW == 0
    b_per_w = B // NW
    assert b_per_w % (2 * C) == 0 and C % 8 == 0
    n_chunks = b_per_w // C
    mesh = plsc.VectorSubcoreMesh(core_axis_name="c", subcore_axis_name="s")

    @functools.partial(
        pl.kernel, mesh=mesh,
        out_type=jax.ShapeDtypeStruct((B, D), jnp.float32),
        scratch_types=[
            pltpu.VMEM((C,), jnp.int32),
            pltpu.VMEM((C,), jnp.int32),
            pltpu.VMEM((C, D), jnp.float32),
            pltpu.VMEM((C, D), jnp.float32),
            pltpu.SemaphoreType.DMA,
            pltpu.SemaphoreType.DMA,
            pltpu.SemaphoreType.DMA,
        ],
    )
    def k(table_hbm, idx_hbm, out_hbm, idx0, idx1, rows0, rows1,
          sem_i, sem_g, sem_o):
        wid = lax.axis_index("s") * NC + lax.axis_index("c")
        base = wid * b_per_w
        idx_bufs = (idx0, idx1)
        rows_bufs = (rows0, rows1)

        pltpu.async_copy(idx_hbm.at[pl.ds(base, C)], idx0, sem_i)
        pltpu.async_copy(idx_hbm.at[pl.ds(base + C, C)], idx1, sem_i)

        def body(g2, carry):
            for b in range(2):
                g = g2 * 2 + b
                off = base + g * C
                idx_v = idx_bufs[b]
                rows_v = rows_bufs[b]
                pltpu.make_async_copy(
                    idx_hbm.at[pl.ds(off, C)], idx_v, sem_i).wait()

                @pl.when(g2 > 0)
                def _():
                    pltpu.make_async_copy(
                        rows_v, out_hbm.at[pl.ds(off - 2 * C, C)],
                        sem_o).wait()

                pltpu.async_copy(table_hbm.at[idx_v], rows_v, sem_g).wait()

                @pl.when(g + 2 < n_chunks)
                def _():
                    pltpu.async_copy(
                        idx_hbm.at[pl.ds(off + 2 * C, C)], idx_v, sem_i)

                pltpu.async_copy(rows_v, out_hbm.at[pl.ds(off, C)], sem_o)
            return carry

        lax.fori_loop(0, n_chunks // 2, body, 0)

        for b in range(2):
            off_last = base + (n_chunks - 2 + b) * C
            pltpu.make_async_copy(
                rows_bufs[b], out_hbm.at[pl.ds(off_last, C)], sem_o).wait()

    return k


def kernel(x, embedding):
    b, s = x.shape
    n = b * s
    flat = x.reshape(n)
    out = _make_sc_gather(embedding.shape[0], D_MODEL, n)(embedding, flat)
    return out.reshape(b, s, D_MODEL)

# --- scband reference (transcript-rebuilt; emitter-appended) ---
"""Pipeline reference for scband-binary-embedding-30803505447380 (READ-ONLY COPY).

The authoritative reference and input builder live on the scoring server;
editing this copy changes nothing except your own understanding.
"""

import jax, jax.numpy as jnp
import numpy as np

D_MODEL = 128
MAX_LEN = 100000
BATCH = 4096
SEQ_LEN = 200


def _build_table(max_len, d_model):
    # Replicates: embedding[i] = bits of bin(i) zero-filled to d_model (MSB first),
    # then (table * 2 - 1) * 0.001
    i = np.arange(max_len, dtype=np.int64)
    shifts = np.arange(d_model - 1, -1, -1, dtype=np.int64)
    bits = ((i[:, None] >> shifts[None, :]) & 1).astype(np.float32)
    return jnp.asarray((bits * 2.0 - 1.0) * 0.001, dtype=jnp.float32)


def setup_inputs(seed: int = 0) -> dict:
    key = jax.random.key(seed)
    x = jax.random.randint(key, (BATCH, SEQ_LEN), 0, MAX_LEN, dtype=jnp.int32)
    embedding = _build_table(MAX_LEN, D_MODEL)
    return {"x": x, "embedding": embedding}


def reference(x, embedding):
    # forward: gather rows of the binary embedding table.
    # Dropout is identity at inference (eval mode).
    out = jnp.take(embedding, x, axis=0)
    return out

if __name__ == "__main__":
    import jax
    _d = setup_inputs()
    print(jax.jit(kernel)(*tuple(_d.values())))

</pallas_src>

<mosaic_0001>
#map = affine_map<(d0, d1) -> (0, 0)>
#map1 = affine_map<(d0, d1) -> (0)>
module attributes {stable_mosaic.version = 14 : i64} {
  func.func @k(%arg0: i32, %arg1: i32, %arg2: memref<100000x128xf32, #tpu.memory_space<hbm>>, %arg3: memref<819200xi32, #tpu.memory_space<hbm>>, %arg4: memref<819200x128xf32, #tpu.memory_space<hbm>>, %arg5: memref<200xi32, #tpu.memory_space<vmem>>, %arg6: memref<200xi32, #tpu.memory_space<vmem>>, %arg7: memref<200x128xf32, #tpu.memory_space<vmem>>, %arg8: memref<200x128xf32, #tpu.memory_space<vmem>>, %arg9: memref<!tpu.dma_semaphore, #tpu.memory_space<semaphore_mem>>, %arg10: memref<!tpu.dma_semaphore, #tpu.memory_space<semaphore_mem>>, %arg11: memref<!tpu.dma_semaphore, #tpu.memory_space<semaphore_mem>>) attributes {dimension_semantics = [#tpu.dimension_semantics<core_parallel>, #tpu.dimension_semantics<subcore_parallel>], iteration_bounds = array<i64: 2, 16>, scalar_prefetch = 0 : i64, scratch_operands = 7 : i64, tpu.core_type = #tpu.core_type<sc_vector_subcore>, window_params = [{transform_indices = #map}, {transform_indices = #map1}, {transform_indices = #map}]} {
    %mul3A = arith.constant 2 : i32
    %mul3A_0 = arith.muli %arg1, %mul3A : i32
    %add3A = arith.addi %mul3A_0, %arg0 : i32
    %mul3A_1 = arith.constant 25600 : i32
    %mul3A_2 = arith.muli %add3A, %mul3A_1 : i32
    %dma_start3A = tpu.memref_slice %arg3[%mul3A_2] : memref<819200xi32, #tpu.memory_space<hbm>> -> memref<200xi32, #tpu.memory_space<hbm>>
    %dma_start3A_3 = tpu.memref_slice %arg3[%mul3A_2] : memref<819200xi32, #tpu.memory_space<hbm>> -> memref<200xi32, #tpu.memory_space<hbm>>
    tpu.enqueue_dma source(%dma_start3A_3 : memref<200xi32, #tpu.memory_space<hbm>>) target(%arg5 : memref<200xi32, #tpu.memory_space<vmem>>) target_semaphore(%arg9 : memref<!tpu.dma_semaphore, #tpu.memory_space<semaphore_mem>>)
    %add3A_4 = arith.constant 200 : i32
    %add3A_5 = arith.addi %mul3A_2, %add3A_4 : i32
    %dma_start3A_6 = tpu.memref_slice %arg3[%add3A_5] : memref<819200xi32, #tpu.memory_space<hbm>> -> memref<200xi32, #tpu.memory_space<hbm>>
    %dma_start3A_7 = tpu.memref_slice %arg3[%add3A_5] : memref<819200xi32, #tpu.memory_space<hbm>> -> memref<200xi32, #tpu.memory_space<hbm>>
    tpu.enqueue_dma source(%dma_start3A_7 : memref<200xi32, #tpu.memory_space<hbm>>) target(%arg6 : memref<200xi32, #tpu.memory_space<vmem>>) target_semaphore(%arg9 : memref<!tpu.dma_semaphore, #tpu.memory_space<semaphore_mem>>)
    %scan3A = arith.constant 0 : i32
    %scan3A_8 = arith.constant 0 : i32
    %scan3A_9 = arith.constant 64 : i32
    %scan3A_10 = arith.addi %scan3A_8, %scan3A_9 : i32
    %scan3A_11 = arith.constant 1 : i32
    scf.for %scan3A_24 = %scan3A_8 to %scan3A_10 step %scan3A_11  : i32 {
      %mul3A_25 = arith.constant 2 : i32
      %mul3A_26 = arith.muli %scan3A_24, %mul3A_25 : i32
      %add3A_27 = arith.constant 0 : i32
      %add3A_28 = arith.addi %mul3A_26, %add3A_27 : i32
      %mul3A_29 = arith.constant 200 : i32
      %mul3A_30 = arith.muli %add3A_28, %mul3A_29 : i32
      %add3A_31 = arith.addi %mul3A_2, %mul3A_30 : i32
      %dma_wait3A_32 = tpu.memref_slice %arg3[%add3A_31] : memref<819200xi32, #tpu.memory_space<hbm>> -> memref<200xi32, #tpu.memory_space<hbm>>
      %dma_wait3A_33 = tpu.memref_slice %arg3[%add3A_31] : memref<819200xi32, #tpu.memory_space<hbm>> -> memref<200xi32, #tpu.memory_space<hbm>>
      tpu.wait_dma2 semaphore(%arg9 : memref<!tpu.dma_semaphore, #tpu.memory_space<semaphore_mem>>) src(%dma_wait3A_33 : memref<200xi32, #tpu.memory_space<hbm>>) dst(%arg5 : memref<200xi32, #tpu.memory_space<vmem>>)
      %gt3A = arith.constant 0 : i32
      %gt3A_34 = arith.cmpi sgt, %scan3A_24, %gt3A : i32
      %convert_element_type3A = arith.extui %gt3A_34 : i1 to i32
      %cond3A = arith.constant 0 : i32
      %cond3A_35 = arith.cmpi ne, %convert_element_type3A, %cond3A : i32
      scf.if %cond3A_35 {
        %sub3A = arith.constant 400 : i32
        %sub3A_83 = arith.subi %add3A_31, %sub3A : i32
        %dma_wait3A_84 = arith.constant 0 : i32
        %dma_wait3A_85 = tpu.memref_slice %arg4[%sub3A_83, %dma_wait3A_84] : memref<819200x128xf32, #tpu.memory_space<hbm>> -> memref<200x128xf32, #tpu.memory_space<hbm>>
        %dma_wait3A_86 = arith.constant 0 : i32
        %dma_wait3A_87 = tpu.memref_slice %arg4[%sub3A_83, %dma_wait3A_86] : memref<819200x128xf32, #tpu.memory_space<hbm>> -> memref<200x128xf32, #tpu.memory_space<hbm>>
        tpu.wait_dma2 semaphore(%arg11 : memref<!tpu.dma_semaphore, #tpu.memory_space<semaphore_mem>>) src(%arg7 : memref<200x128xf32, #tpu.memory_space<vmem>>) dst(%dma_wait3A_87 : memref<200x128xf32, #tpu.memory_space<hbm>>)
      } else {
      }
      %dma_start3A_36 = arith.constant 0 : i32
      %dma_start3A_37 = arith.constant 0 : i32
      %dma_start3A_38 = tpu.memref_slice %arg2[%dma_start3A_36, %dma_start3A_37] : memref<100000x128xf32, #tpu.memory_space<hbm>> -> memref<100000x128xf32, #tpu.memory_space<hbm>>
      tpu.enqueue_indirect_dma source(%dma_start3A_38 : memref<100000x128xf32, #tpu.memory_space<hbm>>) target(%arg7 : memref<200x128xf32, #tpu.memory_space<vmem>>) offsets(%arg5 : memref<200xi32, #tpu.memory_space<vmem>>) semaphore(%arg10 : memref<!tpu.dma_semaphore, #tpu.memory_space<semaphore_mem>>)
      %dma_wait3A_39 = arith.constant 0 : i32
      %dma_wait3A_40 = arith.constant 0 : i32
      %dma_wait3A_41 = tpu.memref_slice %arg2[%dma_wait3A_39, %dma_wait3A_40] : memref<100000x128xf32, #tpu.memory_space<hbm>> -> memref<100000x128xf32, #tpu.memory_space<hbm>>
      tpu.wait_indirect_dma semaphore(%arg10 : memref<!tpu.dma_semaphore, #tpu.memory_space<semaphore_mem>>) src(%dma_wait3A_41 : memref<100000x128xf32, #tpu.memory_space<hbm>>) dst(%arg7 : memref<200x128xf32, #tpu.memory_space<vmem>>)
      %add3A_42 = arith.constant 2 : i32
      %add3A_43 = arith.addi %add3A_28, %add3A_42 : i32
      %lt3A = arith.constant 128 : i32
      %lt3A_44 = arith.cmpi slt, %add3A_43, %lt3A : i32
      %convert_element_type3A_45 = arith.extui %lt3A_44 : i1 to i32
      %cond3A_46 = arith.constant 0 : i32
      %cond3A_47 = arith.cmpi ne, %convert_element_type3A_45, %cond3A_46 : i32
      scf.if %cond3A_47 {
        %add3A_83 = arith.constant 400 : i32
        %add3A_84 = arith.addi %add3A_31, %add3A_83 : i32
        %dma_start3A_85 = tpu.memref_slice %arg3[%add3A_84] : memref<819200xi32, #tpu.memory_space<hbm>> -> memref<200xi32, #tpu.memory_space<hbm>>
        %dma_start3A_86 = tpu.memref_slice %arg3[%add3A_84] : memref<819200xi32, #tpu.memory_space<hbm>> -> memref<200xi32, #tpu.memory_space<hbm>>
        tpu.enqueue_dma source(%dma_start3A_86 : memref<200xi32, #tpu.memory_space<hbm>>) target(%arg5 : memref<200xi32, #tpu.memory_space<vmem>>) target_semaphore(%arg9 : memref<!tpu.dma_semaphore, #tpu.memory_space<semaphore_mem>>)
      } else {
      }
      %dma_start3A_48 = arith.constant 0 : i32
      %dma_start3A_49 = tpu.memref_slice %arg4[%add3A_31, %dma_start3A_48] : memref<819200x128xf32, #tpu.memory_space<hbm>> -> memref<200x128xf32, #tpu.memory_space<hbm>>
      %dma_start3A_50 = arith.constant 0 : i32
      %dma_start3A_51 = tpu.memref_slice %arg4[%add3A_31, %dma_start3A_50] : memref<819200x128xf32, #tpu.memory_space<hbm>> -> memref<200x128xf32, #tpu.memory_space<hbm>>
      tpu.enqueue_dma source(%arg7 : memref<200x128xf32, #tpu.memory_space<vmem>>) target(%dma_start3A_51 : memref<200x128xf32, #tpu.memory_space<hbm>>) target_semaphore(%arg11 : memref<!tpu.dma_semaphore, #tpu.memory_space<semaphore_mem>>)
      %mul3A_52 = arith.constant 2 : i32
      %mul3A_53 = arith.muli %scan3A_24, %mul3A_52 : i32
      %add3A_54 = arith.constant 1 : i32
      %add3A_55 = arith.addi %mul3A_53, %add3A_54 : i32
      %mul3A_56 = arith.constant 200 : i32
      %mul3A_57 = arith.muli %add3A_55, %mul3A_56 : i32
      %add3A_58 = arith.addi %mul3A_2, %mul3A_57 : i32
      %dma_wait3A_59 = tpu.memref_slice %arg3[%add3A_58] : memref<819200xi32, #tpu.memory_space<hbm>> -> memref<200xi32, #tpu.memory_space<hbm>>
      %dma_wait3A_60 = tpu.memref_slice %arg3[%add3A_58] : memref<819200xi32, #tpu.memory_space<hbm>> -> memref<200xi32, #tpu.memory_space<hbm>>
      tpu.wait_dma2 semaphore(%arg9 : memref<!tpu.dma_semaphore, #tpu.memory_space<semaphore_mem>>) src(%dma_wait3A_60 : memref<200xi32, #tpu.memory_space<hbm>>) dst(%arg6 : memref<200xi32, #tpu.memory_space<vmem>>)
      %gt3A_61 = arith.constant 0 : i32
      %gt3A_62 = arith.cmpi sgt, %scan3A_24, %gt3A_61 : i32
      %convert_element_type3A_63 = arith.extui %gt3A_62 : i1 to i32
      %cond3A_64 = arith.constant 0 : i32
      %cond3A_65 = arith.cmpi ne, %convert_element_type3A_63, %cond3A_64 : i32
      scf.if %cond3A_65 {
        %sub3A = arith.constant 400 : i32
        %sub3A_83 = arith.subi %add3A_58, %sub3A : i32
        %dma_wait3A_84 = arith.constant 0 : i32
        %dma_wait3A_85 = tpu.memref_slice %arg4[%sub3A_83, %dma_wait3A_84] : memref<819200x128xf32, #tpu.memory_space<hbm>> -> memref<200x128xf32, #tpu.memory_space<hbm>>
        %dma_wait3A_86 = arith.constant 0 : i32
        %dma_wait3A_87 = tpu.memref_slice %arg4[%sub3A_83, %dma_wait3A_86] : memref<819200x128xf32, #tpu.memory_space<hbm>> -> memref<200x128xf32, #tpu.memory_space<hbm>>
        tpu.wait_dma2 semaphore(%arg11 : memref<!tpu.dma_semaphore, #tpu.memory_space<semaphore_mem>>) src(%arg8 : memref<200x128xf32, #tpu.memory_space<vmem>>) dst(%dma_wait3A_87 : memref<200x128xf32, #tpu.memory_space<hbm>>)
      } else {
      }
      %dma_start3A_66 = arith.constant 0 : i32
      %dma_start3A_67 = arith.constant 0 : i32
      %dma_start3A_68 = tpu.memref_slice %arg2[%dma_start3A_66, %dma_start3A_67] : memref<100000x128xf32, #tpu.memory_space<hbm>> -> memref<100000x128xf32, #tpu.memory_space<hbm>>
      tpu.enqueue_indirect_dma source(%dma_start3A_68 : memref<100000x128xf32, #tpu.memory_space<hbm>>) target(%arg8 : memref<200x128xf32, #tpu.memory_space<vmem>>) offsets(%arg6 : memref<200xi32, #tpu.memory_space<vmem>>) semaphore(%arg10 : memref<!tpu.dma_semaphore, #tpu.memory_space<semaphore_mem>>)
      %dma_wait3A_69 = arith.constant 0 : i32
      %dma_wait3A_70 = arith.constant 0 : i32
      %dma_wait3A_71 = tpu.memref_slice %arg2[%dma_wait3A_69, %dma_wait3A_70] : memref<100000x128xf32, #tpu.memory_space<hbm>> -> memref<100000x128xf32, #tpu.memory_space<hbm>>
      tpu.wait_indirect_dma semaphore(%arg10 : memref<!tpu.dma_semaphore, #tpu.memory_space<semaphore_mem>>) src(%dma_wait3A_71 : memref<100000x128xf32, #tpu.memory_space<hbm>>) dst(%arg8 : memref<200x128xf32, #tpu.memory_space<vmem>>)
      %add3A_72 = arith.constant 2 : i32
      %add3A_73 = arith.addi %add3A_55, %add3A_72 : i32
      %lt3A_74 = arith.constant 128 : i32
      %lt3A_75 = arith.cmpi slt, %add3A_73, %lt3A_74 : i32
      %convert_element_type3A_76 = arith.extui %lt3A_75 : i1 to i32
      %cond3A_77 = arith.constant 0 : i32
      %cond3A_78 = arith.cmpi ne, %convert_element_type3A_76, %cond3A_77 : i32
      scf.if %cond3A_78 {
        %add3A_83 = arith.constant 400 : i32
        %add3A_84 = arith.addi %add3A_58, %add3A_83 : i32
        %dma_start3A_85 = tpu.memref_slice %arg3[%add3A_84] : memref<819200xi32, #tpu.memory_space<hbm>> -> memref<200xi32, #tpu.memory_space<hbm>>
        %dma_start3A_86 = tpu.memref_slice %arg3[%add3A_84] : memref<819200xi32, #tpu.memory_space<hbm>> -> memref<200xi32, #tpu.memory_space<hbm>>
        tpu.enqueue_dma source(%dma_start3A_86 : memref<200xi32, #tpu.memory_space<hbm>>) target(%arg6 : memref<200xi32, #tpu.memory_space<vmem>>) target_semaphore(%arg9 : memref<!tpu.dma_semaphore, #tpu.memory_space<semaphore_mem>>)
      } else {
      }
      %dma_start3A_79 = arith.constant 0 : i32
      %dma_start3A_80 = tpu.memref_slice %arg4[%add3A_58, %dma_start3A_79] : memref<819200x128xf32, #tpu.memory_space<hbm>> -> memref<200x128xf32, #tpu.memory_space<hbm>>
      %dma_start3A_81 = arith.constant 0 : i32
      %dma_start3A_82 = tpu.memref_slice %arg4[%add3A_58, %dma_start3A_81] : memref<819200x128xf32, #tpu.memory_space<hbm>> -> memref<200x128xf32, #tpu.memory_space<hbm>>
      tpu.enqueue_dma source(%arg8 : memref<200x128xf32, #tpu.memory_space<vmem>>) target(%dma_start3A_82 : memref<200x128xf32, #tpu.memory_space<hbm>>) target_semaphore(%arg11 : memref<!tpu.dma_semaphore, #tpu.memory_space<semaphore_mem>>)
    }
    %scan3A_12 = arith.constant 64 : i32
    %add3A_13 = arith.constant 25200 : i32
    %add3A_14 = arith.addi %mul3A_2, %add3A_13 : i32
    %dma_wait3A = arith.constant 0 : i32
    %dma_wait3A_15 = tpu.memref_slice %arg4[%add3A_14, %dma_wait3A] : memref<819200x128xf32, #tpu.memory_space<hbm>> -> memref<200x128xf32, #tpu.memory_space<hbm>>
    %dma_wait3A_16 = arith.constant 0 : i32
    %dma_wait3A_17 = tpu.memref_slice %arg4[%add3A_14, %dma_wait3A_16] : memref<819200x128xf32, #tpu.memory_space<hbm>> -> memref<200x128xf32, #tpu.memory_space<hbm>>
    tpu.wait_dma2 semaphore(%arg11 : memref<!tpu.dma_semaphore, #tpu.memory_space<semaphore_mem>>) src(%arg7 : memref<200x128xf32, #tpu.memory_space<vmem>>) dst(%dma_wait3A_17 : memref<200x128xf32, #tpu.memory_space<hbm>>)
    %add3A_18 = arith.constant 25400 : i32
    %add3A_19 = arith.addi %mul3A_2, %add3A_18 : i32
    %dma_wait3A_20 = arith.constant 0 : i32
    %dma_wait3A_21 = tpu.memref_slice %arg4[%add3A_19, %dma_wait3A_20] : memref<819200x128xf32, #tpu.memory_space<hbm>> -> memref<200x128xf32, #tpu.memory_space<hbm>>
    %dma_wait3A_22 = arith.constant 0 : i32
    %dma_wait3A_23 = tpu.memref_slice %arg4[%add3A_19, %dma_wait3A_22] : memref<819200x128xf32, #tpu.memory_space<hbm>> -> memref<200x128xf32, #tpu.memory_space<hbm>>
    tpu.wait_dma2 semaphore(%arg11 : memref<!tpu.dma_semaphore, #tpu.memory_space<semaphore_mem>>) src(%arg8 : memref<200x128xf32, #tpu.memory_space<vmem>>) dst(%dma_wait3A_23 : memref<200x128xf32, #tpu.memory_space<hbm>>)
    return
  }
}

</mosaic_0001>

<sc_bundles>
// kernel: kernel.3.cloned.1.call-start
scs
__scs_entry_jumppad:
0x0: {  	(pc) =	sbr.rel $0x88, $3  }
0x1: {  	(tag) =	ssettag $0x0;
	lr =	simm.s32 $0x1  }
0x2: {  	[smem:$0x3F9F] =	sst lr;
	_ =	strace $0xD0000000  }
0x3: {  	_ = 	snop  }
0x4: {  	_ = 	snop  }
0x5: {  	_ = 	snop  }
0x6: {  	_ = 	snop  }
0x7: {  	_ = 	snop  }
__scs_overlays_trampoline_lowered:
0x8: {  	[smem:$0x3FAE] =	sst s0  }
0x9: {  	[smem:$0x3FAF] =	sst s1  }
0xa: {  	[smem:$0x3FB0] =	sst s2  }
0xb: {  	[smem:$0x3FB1] =	sst s3  }
0xc: {  	[smem:$0x3FB2] =	sst s4  }
0xd: {  	[smem:$0x3FB3] =	sst s5  }
0xe: {  	[smem:$0x3FB4] =	sst s6  }
0xf: {  	[smem:$0x3FB5] =	sst s7  }
0x10: {  	[smem:$0x3FB6] =	sst s8  }
0x11: {  	[smem:$0x3FB7] =	sst s9;
	s0 =	simm.s32 @!p0 $0x0  }
0x12: {  	s1 =	sld [smem:$0x3F9D];
	s0 =	simm.s32 @p0 $0x1  }
0x13: {  	[smem:$0x3FB8] =	sst s0;
	s0 =	simm.s32 @!p1 $0x0  }
0x14: {  	s2 =	sld [smem:$0x3F9C];
	s0 =	simm.s32 @p1 $0x1  }
0x15: {  	[smem:$0x3FB9] =	sst s0;
	s0 =	simm.s32 @!p2 $0x0  }
0x16: {  	s3 =	sld [smem:$0x3FDB];
	s0 =	simm.s32 @p2 $0x1  }
0x17: {  	s4 =	simm.s32 $0x1BF5;
	[smem:$0x3FBB] =	sst s0  }
0x18: {  	s0 =	sld [smem:$0x3F9E];
	_ =	swait.ge [sflag:s4], $0x0  }
0x19: {  	s7 =	sld [smem:$0x3F9F]  }
0x1a: {  	s8 =	sadd.s32 $0xFFFFE003, lr  }
0x1b: {  	s9 =	sadd.s32 $0xFFFFFEF7, lr;
	s5 =	simm.s32 $0xFFFFFFFF;
	p2 =	slt.u32 s8, $0xFFFFF086  }
0x1c: {  	p1 =	slt.u32 s9, $0xF7A;
	s5 =	simm.s32 @!p2 $0x0  }
0x1d: {  	s5 =	simm.s32 @p1 $0x1;
	p0 =	seq.s32 s7, s2  }
0x1e: {  	s7 =	smul.u32 @!p0 $0xF7A, s2;
	p2 =	seq.s32 @!p0 s5, $0x0  }
0x1f: {  	s9 =	smul.u32 $0xF7A, s1;
	s8 =	simm.s32 @!p0 $0x1BF5;
	p2 =	por !p2, p0  }
0x20: {  	[sflag:s8] =	ssyncset.s32 @!p0 $0xFFFFF086;
	s6 =	sadd.s32 @!p0 s3, s7;
	s7 =	simm.s32 @!p0 $0x108  }
0x21: {  	s3 =	sadd.s32 s3, s9;
	s6 =	sadd.s32 @!p0 $0x88, s6;
	s7 =	simm.s32 @p2 $0x1082  }
0x22: {  	[simem:s7], [sflag:s8] =	dma.local @!p0 [hbm:s6], $0xF7A  }
0x23: {  	s9 =	sor.u32 $0xD0000000, s2;
	s6 =	simm.s32 $0x108;
	_ =	swait.ge @!p0 [sflag:s8], $0x0  }
0x24: {  	s3 =	sadd.s32 $0x88, s3;
	s6 =	simm.s32 @!p1 $0x1082;
	[sflag:s4] =	ssyncset.s32 $0xFFFFF086  }
0x25: {  	[simem:s6], [sflag:s4] =	dma.local [hbm:s3], $0xF7A  }
0x26: {  	[smem:$0x3F9F] =	sst s1;
	(tag) =	ssettag s2;
	_ =	strace s9  }
0x27: {  	s1 =	sld [smem:$0x3FAF]  }
0x28: {  	s2 =	sld [smem:$0x3FB0]  }
0x29: {  	s4 =	sld [smem:$0x3FB2]  }
0x2a: {  	p0 =	seq.s32 s5, $0x0;
	s5 =	sld [smem:$0x3FB3]  }
0x2b: {  	s6 =	sld [smem:$0x3FB4]  }
0x2c: {  	s7 =	sld [smem:$0x3FB5]  }
0x2d: {  	s3 =	simm.s32 $0x108;
	s8 =	sld [smem:$0x3FB6]  }
0x2e: {  	s3 =	simm.s32 @!p0 $0x1082;
	s9 =	sld [smem:$0x3FB7]  }
0x2f: {  	lr =	sadd.s32 s0, s3;
	s0 =	sld [smem:$0x3FAE]  }
0x30: {  	s3 =	sld [smem:$0x3FB1]  }
0x31: {  	[smem:$0x3FBA] =	sst s10  }
0x32: {  	s10 =	sld [smem:$0x3FB8];
	_ =	sdelay $0x3  }
0x33: {  	p0 =	seq.s32 s10, $0x1;
	s10 =	sld [smem:$0x3FBA];
	_ =	sdelay $0x3  }
0x34: {  	[smem:$0x3FBA] =	sst s10  }
0x35: {  	s10 =	sld [smem:$0x3FB9];
	_ =	sdelay $0x3  }
0x36: {  	p1 =	seq.s32 s10, $0x1;
	s10 =	sld [smem:$0x3FBA];
	_ =	sdelay $0x3  }
0x37: {  	[smem:$0x3FBA] =	sst s10  }
0x38: {  	s10 =	sld [smem:$0x3FBB]  }
0x39: {  	_ = 	snop;
	(pc) =	sbr.ind lr, $3  }
0x3a: {  	_ = 	snop  }
0x3b: {  	_ = 	snop  }
0x3c: {  	p2 =	seq.s32 s10, $0x1;
	s10 =	sld [smem:$0x3FBA]  }
0x3d: {  	_ =	shalt  }
0x3e: {  	_ =	shalt  }
0x3f: {  	_ =	shalt  }
0x40: {  	_ =	shalt  }
0x41: {  	_ =	shalt  }
0x42: {  	_ =	shalt  }
0x43: {  	_ =	shalt  }
0x44: {  	_ =	shalt  }
0x45: {  	_ =	shalt  }
0x46: {  	_ =	shalt  }
0x47: {  	_ =	shalt  }
0x48: {  	_ =	shalt  }
0x49: {  	_ =	shalt  }
0x4a: {  	_ =	shalt  }
0x4b: {  	_ =	shalt  }
0x4c: {  	_ =	shalt  }
0x4d: {  	_ =	shalt  }
0x4e: {  	_ =	shalt  }
0x4f: {  	_ =	shalt  }
0x50: {  	_ =	shalt  }
0x51: {  	_ =	shalt  }
0x52: {  	_ =	shalt  }
0x53: {  	_ =	shalt  }
0x54: {  	_ =	shalt  }
0x55: {  	_ =	shalt  }
0x56: {  	_ =	shalt  }
0x57: {  	_ =	shalt  }
0x58: {  	_ =	shalt  }
0x59: {  	_ =	shalt  }
0x5a: {  	_ =	shalt  }
0x5b: {  	_ =	shalt  }
0x5c: {  	_ =	shalt  }
0x5d: {  	_ =	shalt  }
0x5e: {  	_ =	shalt  }
0x5f: {  	_ =	shalt  }
0x60: {  	_ =	shalt  }
0x61: {  	_ =	shalt  }
0x62: {  	_ =	shalt  }
0x63: {  	_ =	shalt  }
0x64: {  	_ =	shalt  }
0x65: {  	_ =	shalt  }
0x66: {  	_ =	shalt  }
0x67: {  	_ =	shalt  }
0x68: {  	_ =	shalt  }
0x69: {  	_ =	shalt  }
0x6a: {  	_ =	shalt  }
0x6b: {  	_ =	shalt  }
0x6c: {  	_ =	shalt  }
0x6d: {  	_ =	shalt  }
0x6e: {  	_ =	shalt  }
0x6f: {  	_ =	shalt  }
0x70: {  	_ =	shalt  }
0x71: {  	_ =	shalt  }
0x72: {  	_ =	shalt  }
0x73: {  	_ =	shalt  }
0x74: {  	_ =	shalt  }
0x75: {  	_ =	shalt  }
0x76: {  	_ =	shalt  }
0x77: {  	_ =	shalt  }
0x78: {  	_ =	shalt  }
0x79: {  	_ =	shalt  }
0x7a: {  	_ =	shalt  }
0x7b: {  	_ =	shalt  }
0x7c: {  	_ =	shalt  }
0x7d: {  	_ =	shalt  }
0x7e: {  	_ =	shalt  }
0x7f: {  	_ =	shalt  }
0x80: {  	_ =	shalt  }
0x81: {  	_ =	shalt  }
0x82: {  	_ =	shalt  }
0x83: {  	_ =	shalt  }
0x84: {  	_ =	shalt  }
0x85: {  	_ =	shalt  }
0x86: {  	_ =	shalt  }
0x87: {  	_ =	shalt  }
.Lfunc_end0:
.L_simem_size_0:
called_computation_lowered:
.L_overlay_start_0:
0x88: {  	s2 =	sld [smem:$0x3FD9]  }
0x89: {  	s3 =	sld [smem:$0x3FFE];
	_ =	sdelay $0x1  }
0x8a: {  	s1 =	srdreg.scid  }
0x8b: {  	s0 =	sand.u32 $0x1, s1  }
0x8c: {  	s17 =	sshll.u32 s0, $0xA;
	s2 =	sadd.s32 s3, s2  }
0x8d: {  	s2 =	sadd.s32 s2, s17  }
0x8e: {  	[smem:$0x3FC6] =	sst s2  }
0x8f: {  	_ = 	snop  }
0x90: {  	s2 =	sld [smem:$0x3FC8]  }
0x91: {  	s18 =	sld [smem:$0x3FD0];
	(tm) =	ssettm $0x1  }
0x92: {  	s4 =	sld [smem:$0x3FFB];
	_ =	sdelay $0x3  }
0x93: {  	_ =	strace s4  }
0x94: {  	s4 =	sld [smem:$0x3FFC];
	_ =	sdelay $0x3  }
0x95: {  	_ =	strace s4  }
0x96: {  	s4 =	sld [smem:$0x3FFD];
	_ =	sdelay $0x3  }
0x97: {  	_ =	strace s4  }
0x98: {  	_ =	strace $0x8FFFFFFF  }
0x99: {  	s19 =	sld [smem:$0x3FDB];
	_ =	sdelay $0x1  }
0x9a: {  	s5 =	simm.s32 $_scs_section_size  }
0x9b: {  	s6 =	simm.s32 $_size__tile_overlayer_lowered;
	s7 =	simm.s32 $_tile_overlayer_lowered  }
0x9c: {  	s22 =	simm.s32 $0x1BFF;
	s21 =	sshll.u32 s7, $0x1;
	s4 =	sadd.s32 s5, s19  }
0x9d: {  	s8 =	simm.s32 $0x0;
	s20 =	sshll.u32 s6, $0x1;
	s6 =	sadd.s32 s21, s4  }
0x9e: {  	[timem:s8], [sflag:s22] =	dma.local [hbm:s6], s20  }
0x9f: {  	_ =	swait.ge [sflag:s22], s20  }
0xa0: {  	s5 =	ssub.s32 $0x0, s20;
	[sflag:s22] =	ssyncset.done $0x0  }
0xa1: {  	[sflag:s22] =	ssyncadd.s32 s5;
	_ =	sdelay $0x1  }
0xa2: {  	s23 =	simm.s32 $0x1B8B  }
0xa3: {  	_ =	swait.ge [sflag:s23], $0x1  }
0xa4: {  	[sflag:s23] =	ssyncset.done $0x0  }
0xa5: {  	s25 =	simm.s32 $0x1B8E;
	s24 =	sld [smem:$0x3FFE];
	[sflag:s23] =	ssyncadd.s32 $0xFFFFFFFF  }
0xa6: {  	s26 =	simm.s32 $execute0_lowered;
	[smem:$0x3FD2] =	sst s25  }
0xa7: {  	s6 =	sshll.u32 s26, $0x1;
	_ =	strace $0x80000046;
	[dreg:$0x1] =	wrdreg $0xFFFFFFFF  }
0xa8: {  	s28 =	simm.s32 $_size_execute0_lowered;
	s4 =	sadd.s32 s4, s6;
	[dreg:$0x0] =	wrdreg $0x0  }
0xa9: {  	s6 =	sshll.u32 s28, $0x1;
	[dreg:$0x2] =	wrdreg s4  }
0xaa: {  	[dreg:$0x3] =	wrdreg s6  }
0xab: {  	[dreg:$0x4] =	wrdreg $0xC0  }
0xac: {  	_ =	task [dreg:s8], $0x5FFFF  }
0xad: {  	[dreg:$0x1] =	wrdreg $0xFFFFFFFF  }
0xae: {  	[dreg:$0x0] =	wrdreg $0x60  }
0xaf: {  	[dreg:$0x2] =	wrdreg s2  }
0xb0: {  	[dreg:$0x3] =	wrdreg s24  }
0xb1: {  	[dreg:$0x4] =	wrdreg s18  }
0xb2: {  	[dreg:$0x5] =	wrdreg $0x9  }
0xb3: {  	_ =	task.clear_ibuf [dreg:s8], $0x6FFFF;
	_ =	strace $0x90000046  }
0xb4: {  	s29 =	simm.s32 $0x9;
	_ =	strace $0x80000048  }
0xb5: {  	_ =	swait.ge [sflag:s29], $0x1  }
0xb6: {  	[sflag:s29] =	ssyncadd.s32 $0xFFFFFFFF  }
0xb7: {  	_ =	strace $0x90000048  }
0xb8: {  	_ =	sfence  }
0xb9: {  	s30 =	sld [smem:$0x0];
	_ =	sdelay $0x2  }
0xba: {  	s31 =	sshll.u32 s1, $0xD;
	s1 =	sshrl.u32 s1, $0x2  }
0xbb: {  	s3 =	sand.u32 $0x4000, s31;
	s1 =	sadd.s32 s1, s30  }
0xbc: {  	s0 =	sor.u32 s3, s0;
	s1 =	sshll.u32 s1, $0x11  }
0xbd: {  	s0 =	sor.u32 s1, s0  }
0xbe: {  	s0 =	sadd.s32 $0x8F2B, s0  }
0xbf: {  	[sflag:s0] =	ssyncadd.remote.s32 $0x1  }
0xc0: {  	_ =	sfence.sel $0xFFFF  }
0xc1: {  	[dreg:$0x0] =	wrdreg $0xFFFFFFFF;
	(pc) =	sbr.abs _section_cstart, $3  }
0xc2: {  	[dreg:$0x1] =	wrdreg $0xFFFFFFFF  }
0xc3: {  	_ =	task.clear_ibuf [dreg:s8], $0x2FFFF;
	_ =	strace $0x9FFFFFFF  }
0xc4: {  	(tm) =	ssettm $0x7FFFFFFF  }
0xc5: {  	_ =	shalt  }
tec
execute0_lowered:
.L_overlay_start_1:
0x0: {  	(tag) =	ssettag $0x1  }
0x1: {  	s1 =	rddreg [dreg:$0x0];
	s2 =	srdreg.scid  }
0x2: {  	s0 =	stileid.u32;
	s4 =	rddreg [dreg:$0x1]  }
0x3: {  	s13 =	rddreg [dreg:$0x2];
	s3 =	simm.s32 $0x0;
	s19 =	simm.s32 $0x200  }
0x4: {  	s20 =	simm.s32 $0x2;
	s21 =	simm.s32 $0x6600;
	s22 =	simm.s32 $0x3  }
0x5: {  	s23 =	simm.s32 $0x0;
	s12 =	sand.u32 $0x1, s2;
	s14 =	smul.u32 $0xC800, s0  }
0x6: {  	s26 =	sshll.u32 s0, $0x1;
	s2 =	rddreg [dreg:$0x3];
	s17 =	smul.u32 $0xC8000, s0  }
0x7: {  	[smem:$0x7FF] =	sst s3;
	s15 =	sadd.s32 $0x400, s4;
	s16 =	smul.u32 $0x6400, s12  }
0x8: {  	s6 =	sor.u32 s12, s26;
	s5 =	ssub.s32 $0x2, s12;
	s18 =	smul.u32 $0x64000, s12  }
0x9: {  	_ =	strace $0x80000047;
	s7 =	smul.u32 $0x6400, s6;
	s28 =	sshrl.u32 s5, $0x1  }
0xa: {  	s29 =	smul.u32 $0x64000, s6;
	s9 =	ssub.s32 s5, s28;
	s14 =	sadd.s32 s16, s14  }
0xb: {  	s8 =	sshrl.u32 s7, $0x3;
	s10 =	sshll.u32 s7, $0x4;
	s6 =	smax.u32 s9, $0x1  }
0xc: {  	s16 =	sor.u32 $0x3E8, s14;
	s30 =	sor.u32 $0x320, s14;
	s4 =	sadd.s32 s15, s8  }
0xd: {  	s8 =	sadd.s32 s13, s29;
	s10 =	sadd.s32 s10, s13;
	s13 =	sadd.s32 s17, s13  }
0xe: {  	s16 =	sshrl.u32 s16, $0x3;
	s31 =	sshrl.u32 s30, $0x3;
	s17 =	simm.s32 $0x1  }
0xf: {  	s5 =	sadd.s32 $0x19, s4;
	s7 =	sadd.s32 $0x32, s4;
	s9 =	sadd.s32 $0x4B, s4  }
0x10: {  	s10 =	sadd.s32 $0xC80, s10;
	s11 =	sadd.s32 $0x62700, s8;
	s12 =	sadd.s32 $0x63380, s8  }
0x11: {  	s13 =	sadd.s32 s18, s13;
	s14 =	sadd.s32 s16, s15;
	s15 =	sadd.s32 s31, s15  }
0x12: {  	s16 =	simm.s32 $0x100;
	s18 =	simm.s32 $0xC8;
	s13 =	sadd.s32 $0x2580, s13  }
.LBB2_1:
0x13: {  	[tilespmem:s3], [sflag:$0x1] =	stream.linear.gather [hbm4b:s4+s3], $0xC8, $0x38;
	[tilespmem:$0xCA00] =	vst v63  }
0x14: {  	_ = 	snop  }
0x15: {  	[tilespmem:s16], [sflag:$0x1] =	stream.linear.gather [hbm4b:s5+s3], $0xC8, $0x38;
	[tilespmem:$0xCA00] =	vst v63  }
0x16: {  	_ =	swait.ge [sflag:s17], $0xC8  }
0x17: {  	[sflag:s17] =	ssyncset.done $0x0  }
0x18: {  	[sflag:s17] =	ssyncadd.s32 $0xFFFFFF38  }
0x19: {  	[tilespmem:s19], [sflag:$0x2] =	stream.indirect.gather [hbm4b:s1+s18], $0x80, s3, s18, $0xb8;
	[tilespmem:$0xCA00] =	vst v63  }
0x1a: {  	_ =	swait.ge [sflag:s20], $0x6400  }
0x1b: {  	[sflag:s20] =	ssyncset.done $0x0  }
0x1c: {  	[sflag:s20] =	ssyncadd.s32 $0xFFFF9C00  }
0x1d: {  	[tilespmem:s3], [sflag:$0x1] =	stream.linear.gather [hbm4b:s7+s3], $0xC8, $0x38;
	[tilespmem:$0xCA00] =	vst v63  }
0x1e: {  	_ = 	snop  }
0x1f: {  	[hbm4b:s8+s3] =	stream.linear.scatter [tilespmem:s19], [sflag:$0x3], $0x6400, $0x38;
	[tilespmem:$0xCA00] =	vst v63  }
0x20: {  	_ =	swait.ge [sflag:s17], $0xC8  }
0x21: {  	[sflag:s17] =	ssyncset.done $0x0  }
0x22: {  	[sflag:s17] =	ssyncadd.s32 $0xFFFFFF38  }
0x23: {  	[tilespmem:s21], [sflag:$0x2] =	stream.indirect.gather [hbm4b:s1+s18], $0x80, s16, s18, $0xb8;
	[tilespmem:$0xCA00] =	vst v63  }
0x24: {  	_ =	swait.ge [sflag:s20], $0x6400  }
0x25: {  	[sflag:s20] =	ssyncset.done $0x0  }
0x26: {  	[sflag:s20] =	ssyncadd.s32 $0xFFFF9C00  }
0x27: {  	[tilespmem:s16], [sflag:$0x1] =	stream.linear.gather [hbm4b:s9+s3], $0xC8, $0x38;
	[tilespmem:$0xCA00] =	vst v63  }
0x28: {  	_ = 	snop  }
0x29: {  	[hbm4b:s10+s3] =	stream.linear.scatter [tilespmem:s21], [sflag:$0x3], $0x6400, $0x38;
	[tilespmem:$0xCA00] =	vst v63  }
0x2a: {  	_ =	swait.ge [sflag:s17], $0xC8  }
0x2b: {  	[sflag:s17] =	ssyncset.done $0x0  }
0x2c: {  	[sflag:s17] =	ssyncadd.s32 $0xFFFFFF38  }
0x2d: {  	_ =	swait.ge [sflag:s22], $0x6400  }
0x2e: {  	[sflag:s22] =	ssyncset.done $0x0  }
0x2f: {  	[sflag:s22] =	ssyncadd.s32 $0xFFFF9C00  }
0x30: {  	[tilespmem:s19], [sflag:$0x2] =	stream.indirect.gather [hbm4b:s1+s18], $0x80, s3, s18, $0xb8;
	[tilespmem:$0xCA00] =	vst v63  }
0x31: {  	_ =	swait.ge [sflag:s20], $0x6400  }
0x32: {  	[sflag:s20] =	ssyncset.done $0x0  }
0x33: {  	s24 =	sadd.s32 $0x0, s15;
	[sflag:s20] =	ssyncadd.s32 $0xFFFF9C00  }
0x34: {  	[tilespmem:s3], [sflag:$0x1] =	stream.linear.gather [hbm4b:s24+s3], $0xC8, $0x38;
	[tilespmem:$0xCA00] =	vst v63  }
0x35: {  	s30 =	sadd.s32 $0xFFFFF380, s13  }
0x36: {  	[hbm4b:s30+s3] =	stream.linear.scatter [tilespmem:s19], [sflag:$0x3], $0x6400, $0x38;
	[tilespmem:$0xCA00] =	vst v63  }
0x37: {  	_ =	swait.ge [sflag:s17], $0xC8  }
0x38: {  	[sflag:s17] =	ssyncset.done $0x0  }
0x39: {  	[sflag:s17] =	ssyncadd.s32 $0xFFFFFF38  }
0x3a: {  	_ =	swait.ge [sflag:s22], $0x6400  }
0x3b: {  	[sflag:s22] =	ssyncset.done $0x0  }
0x3c: {  	[sflag:s22] =	ssyncadd.s32 $0xFFFF9C00  }
0x3d: {  	[tilespmem:s21], [sflag:$0x2] =	stream.indirect.gather [hbm4b:s1+s18], $0x80, s16, s18, $0xb8;
	[tilespmem:$0xCA00] =	vst v63  }
0x3e: {  	_ =	swait.ge [sflag:s20], $0x6400  }
0x3f: {  	s31 =	sadd.s32 $0x0, s14;
	s25 =	sadd.s32 $0x1900, s13;
	[sflag:s20] =	ssyncset.done $0x0  }
0x40: {  	s26 =	smov.u32 s13;
	s24 =	simm.s32 $0x32;
	[sflag:s20] =	ssyncadd.s32 $0xFFFF9C00  }
0x41: {  	[tilespmem:s16], [sflag:$0x1] =	stream.linear.gather [hbm4b:s31+s3], $0xC8, $0x38;
	[tilespmem:$0xCA00] =	vst v63  }
.LBB2_2:
0x42: {  	[hbm4b:s26+s3] =	stream.linear.scatter [tilespmem:s21], [sflag:$0x3], $0x6400, $0x38;
	[tilespmem:$0xCA00] =	vst v63  }
0x43: {  	s28 =	smov.u32 s24;
	s26 =	smov.u32 s25  }
0x44: {  	p0 =	sne.s32 s24, $0xBEA;
	s24 =	sadd.s32 $0x32, s24;
	_ =	swait.ge [sflag:s17], $0xC8  }
0x45: {  	[sflag:s17] =	ssyncset.done $0x0  }
0x46: {  	[sflag:s17] =	ssyncadd.s32 $0xFFFFFF38  }
0x47: {  	_ =	swait.ge [sflag:s22], $0x6400  }
0x48: {  	[sflag:s22] =	ssyncset.done $0x0  }
0x49: {  	[sflag:s22] =	ssyncadd.s32 $0xFFFF9C00  }
0x4a: {  	[tilespmem:s19], [sflag:$0x2] =	stream.indirect.gather [hbm4b:s1+s18], $0x80, s3, s18, $0xb8;
	[tilespmem:$0xCA00] =	vst v63  }
0x4b: {  	_ =	swait.ge [sflag:s20], $0x6400  }
0x4c: {  	[sflag:s20] =	ssyncset.done $0x0  }
0x4d: {  	s29 =	sadd.s32 s28, s15;
	[sflag:s20] =	ssyncadd.s32 $0xFFFF9C00  }
0x4e: {  	[tilespmem:s3], [sflag:$0x1] =	stream.linear.gather [hbm4b:s29+s3], $0xC8, $0x38;
	[tilespmem:$0xCA00] =	vst v63  }
0x4f: {  	s29 =	sadd.s32 $0xFFFFF380, s25  }
0x50: {  	[hbm4b:s29+s3] =	stream.linear.scatter [tilespmem:s19], [sflag:$0x3], $0x6400, $0x38;
	[tilespmem:$0xCA00] =	vst v63  }
0x51: {  	_ =	swait.ge [sflag:s17], $0xC8  }
0x52: {  	[sflag:s17] =	ssyncset.done $0x0  }
0x53: {  	[sflag:s17] =	ssyncadd.s32 $0xFFFFFF38  }
0x54: {  	_ =	swait.ge [sflag:s22], $0x6400  }
0x55: {  	[sflag:s22] =	ssyncset.done $0x0  }
0x56: {  	[sflag:s22] =	ssyncadd.s32 $0xFFFF9C00  }
0x57: {  	[tilespmem:s21], [sflag:$0x2] =	stream.indirect.gather [hbm4b:s1+s18], $0x80, s16, s18, $0xb8;
	[tilespmem:$0xCA00] =	vst v63  }
.Ltmp0:
0x58: {  	_ =	swait.ge [sflag:s20], $0x6400;
	(pc) =	sbr.rel @p0 .LBB2_2-.Ltmp0, $4  }
0x59: {  	[sflag:s20] =	ssyncset.done $0x0  }
0x5a: {  	s28 =	sadd.s32 s28, s14;
	[sflag:s20] =	ssyncadd.s32 $0xFFFF9C00  }
0x5b: {  	[tilespmem:s16], [sflag:$0x1] =	stream.linear.gather [hbm4b:s28+s3], $0xC8, $0x38;
	[tilespmem:$0xCA00] =	vst v63  }
0x5c: {  	s25 =	sadd.s32 $0x1900, s25  }
0x5d: {  	[hbm4b:s26+s3] =	stream.linear.scatter [tilespmem:s21], [sflag:$0x3], $0x6400, $0x38;
	[tilespmem:$0xCA00] =	vst v63  }
0x5e: {  	_ =	swait.ge [sflag:s17], $0xC8  }
0x5f: {  	[sflag:s17] =	ssyncset.done $0x0  }
0x60: {  	[sflag:s17] =	ssyncadd.s32 $0xFFFFFF38  }
0x61: {  	_ =	swait.ge [sflag:s22], $0x6400  }
0x62: {  	[sflag:s22] =	ssyncset.done $0x0  }
0x63: {  	[sflag:s22] =	ssyncadd.s32 $0xFFFF9C00  }
0x64: {  	[tilespmem:s19], [sflag:$0x2] =	stream.indirect.gather [hbm4b:s1+s18], $0x80, s3, s18, $0xb8;
	[tilespmem:$0xCA00] =	vst v63  }
0x65: {  	_ =	swait.ge [sflag:s20], $0x6400  }
0x66: {  	[sflag:s20] =	ssyncset.done $0x0  }
0x67: {  	[sflag:s20] =	ssyncadd.s32 $0xFFFF9C00  }
0x68: {  	[hbm4b:s11+s3] =	stream.linear.scatter [tilespmem:s19], [sflag:$0x3], $0x6400, $0x38;
	[tilespmem:$0xCA00] =	vst v63  }
0x69: {  	_ =	swait.ge [sflag:s17], $0xC8  }
0x6a: {  	[sflag:s17] =	ssyncset.done $0x0  }
0x6b: {  	[sflag:s17] =	ssyncadd.s32 $0xFFFFFF38  }
0x6c: {  	_ =	swait.ge [sflag:s22], $0x6400  }
0x6d: {  	[sflag:s22] =	ssyncset.done $0x0  }
0x6e: {  	[sflag:s22] =	ssyncadd.s32 $0xFFFF9C00  }
0x6f: {  	[tilespmem:s21], [sflag:$0x2] =	stream.indirect.gather [hbm4b:s1+s18], $0x80, s16, s18, $0xb8;
	[tilespmem:$0xCA00] =	vst v63  }
0x70: {  	_ =	swait.ge [sflag:s20], $0x6400  }
0x71: {  	[sflag:s20] =	ssyncset.done $0x0  }
0x72: {  	s23 =	sadd.s32 $0x1, s23;
	[sflag:s20] =	ssyncadd.s32 $0xFFFF9C00  }
0x73: {  	[hbm4b:s12+s3] =	stream.linear.scatter [tilespmem:s21], [sflag:$0x3], $0x6400, $0x38;
	[tilespmem:$0xCA00] =	vst v63  }
0x74: {  	p0 =	sne.s32 s23, s6;
	_ =	swait.ge [sflag:s22], $0x6400  }
.Ltmp1:
0x75: {  	[sflag:s22] =	ssyncset.done $0x0;
	(pc) =	sbr.rel @p0 .LBB2_1-.Ltmp1, $4  }
0x76: {  	[sflag:s22] =	ssyncadd.s32 $0xFFFF9C00  }
0x77: {  	_ =	swait.ge [sflag:s22], $0x6400  }
0x78: {  	[sflag:s22] =	ssyncset.done $0x0  }
0x79: {  	[sflag:s22] =	ssyncadd.s32 $0xFFFF9C00  }
0x7a: {  	_ =	sfence.sel $0x180000  }
0x7b: {  	[bflag:$0x0] =	sbarrier.arrive $0xFFFF  }
0x7c: {  	p0 =	sne.s32 s0, $0x0;
	_ =	strace $0x90000047  }
0x7d: {  	s0 =	sadd.s32 @!p0 $0x100000, s2;
	[bflag:$0x2] =	sbarrier.arrive $0xFFFF  }
0x7e: {  	[sflag:s0] =	ssyncadd.tile.s32 @!p0 $0x1;
	_ =	shalt  }
.Lfunc_end2:
_tile_overlayer_lowered:
.L_overlay_start_2:
0x7f: {  	(tag) =	ssettag $0x2  }
0x80: {  	s0 =	rddreg [dreg:$0x0];
	s2 =	stileid.u32  }
0x81: {  	s1 =	rddreg [dreg:$0x1];
	p0 =	sne.s32 s2, $0x0  }
0x82: {  	s3 =	rddreg [dreg:$0x2];
	[bflag:$0x3] =	sbarrier.arrive $0xFFFF;
	s2 =	simm.s32 @!p0 $0x1C04  }
0x83: {  	[timem:s3], [sflag:s2] =	dma.local @!p0 [hbm:s0], s1  }
0x84: {  	s0 =	simm.s32 @!p0 $0x4  }
0x85: {  	_ =	swait.ge @!p0 [sflag:s0], s1  }
0x86: {  	s1 =	ssub.s32 @!p0 $0x0, s1;
	[sflag:s0] =	ssyncset.done @!p0 $0x0  }
0x87: {  	[sflag:s0] =	ssyncadd.s32 @!p0 s1  }
0x88: {  	[bflag:$0x3] =	sbarrier.arrive $0xFFFF  }
0x89: {  	_ =	shalt  }

</sc_bundles>
